<compile_context>
chip_gen: v7x
topology: tpu7x:2x2x1
jax: 0.10.2.dev20260603
libtpu: 0.0.44.dev20260713+nightly
codegen_flags: <defaults>
</compile_context>

<pallas_src>
import functools

import jax
import jax.numpy as jnp
from jax import lax
from jax.experimental import pallas as pl
from jax.experimental.pallas import tpu as pltpu
from jax.experimental.pallas import tpu_sc as plsc

N_TOKENS = 8192
N_EXPERTS = 16
LANES = 16
N_WORKERS = 32
TPW = N_TOKENS // N_WORKERS


def _logits_tc(u, W, b1):

    def body(u_ref, w_ref, b_ref, o_ref):
        acc = lax.dot_general(
            u_ref[...], w_ref[...],
            dimension_numbers=(((1,), (1,)), ((), ())),
            preferred_element_type=jnp.float32,
        )
        o_ref[...] = acc + b_ref[...]

    return pl.pallas_call(
        body,
        out_shape=jax.ShapeDtypeStruct((N_TOKENS, N_EXPERTS), jnp.float32),
    )(u, W, b1)


def _route_sc(logits):
    mesh = plsc.VectorSubcoreMesh(core_axis_name="c", subcore_axis_name="s")

    @functools.partial(
        pl.kernel,
        mesh=mesh,
        out_type=jax.ShapeDtypeStruct((N_TOKENS, N_EXPERTS), jnp.float32),
        scratch_types=[
            pltpu.VMEM((TPW, N_EXPERTS), jnp.float32),
            pltpu.VMEM((TPW, N_EXPERTS), jnp.float32),
        ],
        compiler_params=pltpu.CompilerParams(needs_layout_passes=False),
    )
    def k(lg_hbm, out_hbm, lg_v, out_v):
        wid = lax.axis_index("s") * 2 + lax.axis_index("c")
        base = wid * TPW
        pltpu.sync_copy(lg_hbm.at[pl.ds(base, TPW)], lg_v)

        iota = lax.broadcasted_iota(jnp.int32, (LANES,), 0)
        neg_inf = jnp.full((LANES,), -jnp.inf, jnp.float32)

        def token(t, carry):
            l = lg_v[t, :]
            m1 = jnp.max(l)
            i1 = plsc.all_reduce_ffs(l == m1)
            l2 = jnp.where(iota == i1, neg_inf, l)
            m2 = jnp.max(l2)
            i2 = plsc.all_reduce_ffs(l2 == m2)
            d = lax.broadcast(m2 - m1, (LANES,))
            p1 = 1.0 / (1.0 + jnp.exp(d))
            p2 = 1.0 - p1
            out_v[t, :] = jnp.where(
                iota == i1, p1, jnp.where(iota == i2, p2, 0.0))
            return carry

        lax.fori_loop(0, TPW, token, 0)
        pltpu.sync_copy(out_v, out_hbm.at[pl.ds(base, TPW)])

    return k(logits)


def kernel(h, u, W, b):
    del h
    logits = _logits_tc(u, W, b.reshape(1, N_EXPERTS))
    return _route_sc(logits)

# --- scband reference (transcript-rebuilt; emitter-appended) ---
"""Pipeline reference for scband-user-only-gate-12635793784887 (READ-ONLY COPY).

The authoritative reference and input builder live on the scoring server;
editing this copy changes nothing except your own understanding.
"""

import jax, jax.numpy as jnp
import numpy as np


def setup_inputs(seed: int = 0) -> dict:
    key = jax.random.key(seed)
    k1, k2, k3, k4 = jax.random.split(key, 4)
    h = jax.random.normal(k1, (8192, 1024), dtype=jnp.float32)
    u = jax.random.normal(k2, (8192, 128), dtype=jnp.float32)
    # nn.Linear(user_dim=128, num_experts=16): weight [16, 128], bias [16]
    W = jax.random.normal(k3, (16, 128), dtype=jnp.float32) * (1.0 / np.sqrt(128.0))
    b = jax.random.normal(k4, (16,), dtype=jnp.float32) * (1.0 / np.sqrt(128.0))
    return {"h": h, "u": u, "W": W, "b": b}


def reference(h, u, W, b):
    top_k = 2
    logits = u @ W.T + b
    w = jax.nn.softmax(logits, axis=-1)
    num_experts = w.shape[-1]
    if top_k and top_k < num_experts:
        _, idx = jax.lax.top_k(w, top_k)
        rows = jnp.arange(w.shape[0])[:, None]
        mask = jnp.zeros(w.shape, dtype=w.dtype).at[rows, idx].set(1.0)
        wm = w * mask
        denom = jnp.maximum(jnp.sum(wm, axis=-1, keepdims=True), 1e-09)
        w = wm / denom
    return w

if __name__ == "__main__":
    import jax
    _d = setup_inputs()
    print(jax.jit(kernel)(*tuple(_d.values())))

</pallas_src>

<mosaic_0001>
#map = affine_map<(d0, d1) -> (0, 0)>
module attributes {stable_mosaic.version = 14 : i64} {
  func.func @k(%arg0: i32, %arg1: i32, %arg2: memref<8192x16xf32, #tpu.memory_space<hbm>>, %arg3: memref<8192x16xf32, #tpu.memory_space<hbm>>, %arg4: memref<256x16xf32, #tpu.memory_space<vmem>>, %arg5: memref<256x16xf32, #tpu.memory_space<vmem>>) attributes {dimension_semantics = [#tpu.dimension_semantics<core_parallel>, #tpu.dimension_semantics<subcore_parallel>], iteration_bounds = array<i64: 2, 16>, scalar_prefetch = 0 : i64, scratch_operands = 2 : i64, tpu.core_type = #tpu.core_type<sc_vector_subcore>, window_params = [{transform_indices = #map}, {transform_indices = #map}]} {
    %mul3A = arith.constant 2 : i32
    %mul3A_0 = arith.muli %arg1, %mul3A : i32
    %add3A = arith.addi %mul3A_0, %arg0 : i32
    %mul3A_1 = arith.constant 256 : i32
    %mul3A_2 = arith.muli %add3A, %mul3A_1 : i32
    "tpu.region"() ({
      %run_scoped3A = tpu.sem_alloc : memref<!tpu.dma_semaphore, #tpu.memory_space<semaphore_mem>>
      %dma_start3A = arith.constant 0 : i32
      %dma_start3A_9 = tpu.memref_slice %arg2[%mul3A_2, %dma_start3A] : memref<8192x16xf32, #tpu.memory_space<hbm>> -> memref<256x16xf32, #tpu.memory_space<hbm>>
      %dma_start3A_10 = arith.constant 0 : i32
      %dma_start3A_11 = tpu.memref_slice %arg2[%mul3A_2, %dma_start3A_10] : memref<8192x16xf32, #tpu.memory_space<hbm>> -> memref<256x16xf32, #tpu.memory_space<hbm>>
      tpu.enqueue_dma source(%dma_start3A_11 : memref<256x16xf32, #tpu.memory_space<hbm>>) target(%arg4 : memref<256x16xf32, #tpu.memory_space<vmem>>) target_semaphore(%run_scoped3A : memref<!tpu.dma_semaphore, #tpu.memory_space<semaphore_mem>>)
      %dma_wait3A = arith.constant 0 : i32
      %dma_wait3A_12 = tpu.memref_slice %arg2[%mul3A_2, %dma_wait3A] : memref<8192x16xf32, #tpu.memory_space<hbm>> -> memref<256x16xf32, #tpu.memory_space<hbm>>
      %dma_wait3A_13 = arith.constant 0 : i32
      %dma_wait3A_14 = tpu.memref_slice %arg2[%mul3A_2, %dma_wait3A_13] : memref<8192x16xf32, #tpu.memory_space<hbm>> -> memref<256x16xf32, #tpu.memory_space<hbm>>
      tpu.wait_dma2 semaphore(%run_scoped3A : memref<!tpu.dma_semaphore, #tpu.memory_space<semaphore_mem>>) src(%dma_wait3A_14 : memref<256x16xf32, #tpu.memory_space<hbm>>) dst(%arg4 : memref<256x16xf32, #tpu.memory_space<vmem>>)
      tpu.yield
    }) : () -> ()
    %iota3A = tpu.iota {dimensions = array<i32: 0>} : vector<16xi32>
    %broadcast_in_dim3A = arith.constant 0xFF800000 : f32
    %broadcast_in_dim3A_3 = vector.broadcast %broadcast_in_dim3A : f32 to vector<16xf32>
    %scan3A = arith.constant 0 : i32
    %scan3A_4 = arith.constant 0 : i32
    %scan3A_5 = arith.constant 256 : i32
    %scan3A_6 = arith.addi %scan3A_4, %scan3A_5 : i32
    %scan3A_7 = arith.constant 1 : i32
    scf.for %scan3A_9 = %scan3A_4 to %scan3A_6 step %scan3A_7  : i32 {
      %get3A = arith.index_cast %scan3A_9 : i32 to index
      %get3A_10 = arith.constant 0 : index
      %get3A_11 = tpu.vector_load %arg4[%get3A, %get3A_10] {strides = array<i32>} : memref<256x16xf32, #tpu.memory_space<vmem>>, vector<16xf32>,
      %reduce_max3A = arith.constant true
      %reduce_max3A_12 = vector.broadcast %reduce_max3A : i1 to vector<16xi1>
      %reduce_max3A_13 = tpu.scan <max>, %get3A_11 masked %reduce_max3A_12 : vector<16xf32>, vector<16xi1> -> vector<16xf32>
      %reduce_max3A_14 = vector.extract %reduce_max3A_13[15] : f32 from vector<16xf32>
      %eq3A = vector.broadcast %reduce_max3A_14 : f32 to vector<16xf32>
      %eq3A_15 = arith.cmpf oeq, %get3A_11, %eq3A : vector<16xf32>
      %all_reduce_ffs3A = tpu.all_reduce %eq3A_15 {dim = 0 : i64, kind = #tpu.reduction_kind<find_first_set>} : vector<16xi1> -> vector<16xi32>
      %eq3A_16 = arith.cmpi eq, %iota3A, %all_reduce_ffs3A : vector<16xi32>
      %select_n3A = arith.select %eq3A_16, %broadcast_in_dim3A_3, %get3A_11 : vector<16xi1>, vector<16xf32>
      %reduce_max3A_17 = arith.constant true
      %reduce_max3A_18 = vector.broadcast %reduce_max3A_17 : i1 to vector<16xi1>
      %reduce_max3A_19 = tpu.scan <max>, %select_n3A masked %reduce_max3A_18 : vector<16xf32>, vector<16xi1> -> vector<16xf32>
      %reduce_max3A_20 = vector.extract %reduce_max3A_19[15] : f32 from vector<16xf32>
      %eq3A_21 = vector.broadcast %reduce_max3A_20 : f32 to vector<16xf32>
      %eq3A_22 = arith.cmpf oeq, %select_n3A, %eq3A_21 : vector<16xf32>
      %all_reduce_ffs3A_23 = tpu.all_reduce %eq3A_22 {dim = 0 : i64, kind = #tpu.reduction_kind<find_first_set>} : vector<16xi1> -> vector<16xi32>
      %sub3A = arith.subf %reduce_max3A_20, %reduce_max3A_14 : f32
      %broadcast_in_dim3A_24 = vector.broadcast %sub3A : f32 to vector<16xf32>
      %exp3A = math.exp %broadcast_in_dim3A_24 : vector<16xf32>
      %add3A_25 = arith.constant 1.000000e+00 : f32
      %add3A_26 = vector.broadcast %add3A_25 : f32 to vector<16xf32>
      %add3A_27 = arith.addf %add3A_26, %exp3A : vector<16xf32>
      %div3A = arith.constant 1.000000e+00 : f32
      %div3A_28 = vector.broadcast %div3A : f32 to vector<16xf32>
      %div3A_29 = arith.divf %div3A_28, %add3A_27 : vector<16xf32>
      %sub3A_30 = arith.constant 1.000000e+00 : f32
      %sub3A_31 = vector.broadcast %sub3A_30 : f32 to vector<16xf32>
      %sub3A_32 = arith.subf %sub3A_31, %div3A_29 : vector<16xf32>
      %eq3A_33 = arith.cmpi eq, %iota3A, %all_reduce_ffs3A : vector<16xi32>
      %eq3A_34 = arith.cmpi eq, %iota3A, %all_reduce_ffs3A_23 : vector<16xi32>
      %jit3A = arith.constant 0.000000e+00 : f32
      %broadcast_in_dim3A_35 = vector.broadcast %jit3A : f32 to vector<16xf32>
      %select_n3A_36 = arith.select %eq3A_34, %sub3A_32, %broadcast_in_dim3A_35 : vector<16xi1>, vector<16xf32>
      %select_n3A_37 = arith.select %eq3A_33, %div3A_29, %select_n3A_36 : vector<16xi1>, vector<16xf32>
      %swap3A = arith.index_cast %scan3A_9 : i32 to index
      %swap3A_38 = arith.constant 0 : index
      %swap3A_39 = tpu.vector_load %arg5[%swap3A, %swap3A_38] {strides = array<i32>} : memref<256x16xf32, #tpu.memory_space<vmem>>, vector<16xf32>,
      tpu.vector_store %arg5[%swap3A, %swap3A_38], %select_n3A_37 {strides = array<i32>} : memref<256x16xf32, #tpu.memory_space<vmem>>, vector<16xf32>,
    }
    %scan3A_8 = arith.constant 256 : i32
    "tpu.region"() ({
      %run_scoped3A = tpu.sem_alloc : memref<!tpu.dma_semaphore, #tpu.memory_space<semaphore_mem>>
      %dma_start3A = arith.constant 0 : i32
      %dma_start3A_9 = tpu.memref_slice %arg3[%mul3A_2, %dma_start3A] : memref<8192x16xf32, #tpu.memory_space<hbm>> -> memref<256x16xf32, #tpu.memory_space<hbm>>
      %dma_start3A_10 = arith.constant 0 : i32
      %dma_start3A_11 = tpu.memref_slice %arg3[%mul3A_2, %dma_start3A_10] : memref<8192x16xf32, #tpu.memory_space<hbm>> -> memref<256x16xf32, #tpu.memory_space<hbm>>
      tpu.enqueue_dma source(%arg5 : memref<256x16xf32, #tpu.memory_space<vmem>>) target(%dma_start3A_11 : memref<256x16xf32, #tpu.memory_space<hbm>>) target_semaphore(%run_scoped3A : memref<!tpu.dma_semaphore, #tpu.memory_space<semaphore_mem>>)
      %dma_wait3A = arith.constant 0 : i32
      %dma_wait3A_12 = tpu.memref_slice %arg3[%mul3A_2, %dma_wait3A] : memref<8192x16xf32, #tpu.memory_space<hbm>> -> memref<256x16xf32, #tpu.memory_space<hbm>>
      %dma_wait3A_13 = arith.constant 0 : i32
      %dma_wait3A_14 = tpu.memref_slice %arg3[%mul3A_2, %dma_wait3A_13] : memref<8192x16xf32, #tpu.memory_space<hbm>> -> memref<256x16xf32, #tpu.memory_space<hbm>>
      tpu.wait_dma2 semaphore(%run_scoped3A : memref<!tpu.dma_semaphore, #tpu.memory_space<semaphore_mem>>) src(%arg5 : memref<256x16xf32, #tpu.memory_space<vmem>>) dst(%dma_wait3A_14 : memref<256x16xf32, #tpu.memory_space<hbm>>)
      tpu.yield
    }) : () -> ()
    return
  }
}

module attributes {stable_mosaic.version = 14 : i64} {
  func.func @body(%arg0: memref<8192x128xf32, #tpu.memory_space<vmem>>, %arg1: memref<16x128xf32, #tpu.memory_space<vmem>>, %arg2: memref<1x16xf32, #tpu.memory_space<vmem>>, %arg3: memref<8192x16xf32, #tpu.memory_space<vmem>>) attributes {dimension_semantics = [], scalar_prefetch = 0 : i64, scratch_operands = 0 : i64, tpu.core_type = #tpu.core_type<tc>} {
    %get3A = arith.constant 0 : index
    %get3A_0 = arith.constant 0 : index
    %get3A_1 = vector.load %arg0[%get3A, %get3A_0] : memref<8192x128xf32, #tpu.memory_space<vmem>>, vector<8192x128xf32>
    %get3A_2 = arith.constant 0 : index
    %get3A_3 = arith.constant 0 : index
    %get3A_4 = vector.load %arg1[%get3A_2, %get3A_3] : memref<16x128xf32, #tpu.memory_space<vmem>>, vector<16x128xf32>
    %dot_general3A = arith.constant dense<0.000000e+00> : vector<8192x16xf32>
    %dot_general3A_5 = tpu.matmul %get3A_1, %get3A_4, %dot_general3A {dimension_numbers = #tpu.dot_dimension_numbers<[1], [1], [0], [0], [0, 0, 1, 0], [], []>, transpose_lhs_hint = false} : vector<8192x128xf32>, vector<16x128xf32>, vector<8192x16xf32> -> vector<8192x16xf32>
    %get3A_6 = arith.constant 0 : index
    %get3A_7 = arith.constant 0 : index
    %get3A_8 = vector.load %arg2[%get3A_6, %get3A_7] : memref<1x16xf32, #tpu.memory_space<vmem>>, vector<1x16xf32>
    %add3A = vector.broadcast %get3A_8 : vector<1x16xf32> to vector<8192x16xf32>
    %add3A_9 = arith.addf %dot_general3A_5, %add3A : vector<8192x16xf32>
    %swap3A = arith.constant 0 : index
    %swap3A_10 = arith.constant 0 : index
    %swap3A_11 = vector.load %arg3[%swap3A, %swap3A_10] : memref<8192x16xf32, #tpu.memory_space<vmem>>, vector<8192x16xf32>
    tpu.vector_store %arg3[%swap3A, %swap3A_10], %add3A_9 {strides = array<i32>} : memref<8192x16xf32, #tpu.memory_space<vmem>>, vector<8192x16xf32>,
    return
  }
}

</mosaic_0001>

<sc_bundles>
// kernel: kernel.4.cloned.1.call-start
scs
__scs_entry_jumppad:
0x0: {  	(pc) =	sbr.rel $0x88, $3  }
0x1: {  	(tag) =	ssettag $0x0;
	lr =	simm.s32 $0x1  }
0x2: {  	[smem:$0x3F9E] =	sst lr;
	_ =	strace $0xD0000000  }
0x3: {  	_ = 	snop  }
0x4: {  	_ = 	snop  }
0x5: {  	_ = 	snop  }
0x6: {  	_ = 	snop  }
0x7: {  	_ = 	snop  }
__scs_overlays_trampoline_lowered:
0x8: {  	[smem:$0x3FAD] =	sst s0  }
0x9: {  	[smem:$0x3FAE] =	sst s1  }
0xa: {  	[smem:$0x3FAF] =	sst s2  }
0xb: {  	[smem:$0x3FB0] =	sst s3  }
0xc: {  	[smem:$0x3FB1] =	sst s4  }
0xd: {  	[smem:$0x3FB2] =	sst s5  }
0xe: {  	[smem:$0x3FB3] =	sst s6  }
0xf: {  	[smem:$0x3FB4] =	sst s7  }
0x10: {  	[smem:$0x3FB5] =	sst s8  }
0x11: {  	[smem:$0x3FB6] =	sst s9;
	s0 =	simm.s32 @!p0 $0x0  }
0x12: {  	s1 =	sld [smem:$0x3F9C];
	s0 =	simm.s32 @p0 $0x1  }
0x13: {  	[smem:$0x3FB7] =	sst s0;
	s0 =	simm.s32 @!p1 $0x0  }
0x14: {  	s2 =	sld [smem:$0x3F9B];
	s0 =	simm.s32 @p1 $0x1  }
0x15: {  	[smem:$0x3FB8] =	sst s0;
	s0 =	simm.s32 @!p2 $0x0  }
0x16: {  	s3 =	sld [smem:$0x3FDB];
	s0 =	simm.s32 @p2 $0x1  }
0x17: {  	s4 =	simm.s32 $0x1BF5;
	[smem:$0x3FBA] =	sst s0  }
0x18: {  	s0 =	sld [smem:$0x3F9D];
	_ =	swait.ge [sflag:s4], $0x0  }
0x19: {  	s7 =	sld [smem:$0x3F9E]  }
0x1a: {  	s8 =	sadd.s32 $0xFFFFE003, lr  }
0x1b: {  	s9 =	sadd.s32 $0xFFFFFEF7, lr;
	s5 =	simm.s32 $0xFFFFFFFF;
	p2 =	slt.u32 s8, $0xFFFFF086  }
0x1c: {  	p1 =	slt.u32 s9, $0xF7A;
	s5 =	simm.s32 @!p2 $0x0  }
0x1d: {  	s5 =	simm.s32 @p1 $0x1;
	p0 =	seq.s32 s7, s2  }
0x1e: {  	s7 =	smul.u32 @!p0 $0xF7A, s2;
	p2 =	seq.s32 @!p0 s5, $0x0  }
0x1f: {  	s9 =	smul.u32 $0xF7A, s1;
	s8 =	simm.s32 @!p0 $0x1BF5;
	p2 =	por !p2, p0  }
0x20: {  	[sflag:s8] =	ssyncset.s32 @!p0 $0xFFFFF086;
	s6 =	sadd.s32 @!p0 s3, s7;
	s7 =	simm.s32 @!p0 $0x108  }
0x21: {  	s3 =	sadd.s32 s3, s9;
	s6 =	sadd.s32 @!p0 $0x88, s6;
	s7 =	simm.s32 @p2 $0x1082  }
0x22: {  	[simem:s7], [sflag:s8] =	dma.local @!p0 [hbm:s6], $0xF7A  }
0x23: {  	s9 =	sor.u32 $0xD0000000, s2;
	s6 =	simm.s32 $0x108;
	_ =	swait.ge @!p0 [sflag:s8], $0x0  }
0x24: {  	s3 =	sadd.s32 $0x88, s3;
	s6 =	simm.s32 @!p1 $0x1082;
	[sflag:s4] =	ssyncset.s32 $0xFFFFF086  }
0x25: {  	[simem:s6], [sflag:s4] =	dma.local [hbm:s3], $0xF7A  }
0x26: {  	[smem:$0x3F9E] =	sst s1;
	(tag) =	ssettag s2;
	_ =	strace s9  }
0x27: {  	s1 =	sld [smem:$0x3FAE]  }
0x28: {  	s2 =	sld [smem:$0x3FAF]  }
0x29: {  	s4 =	sld [smem:$0x3FB1]  }
0x2a: {  	p0 =	seq.s32 s5, $0x0;
	s5 =	sld [smem:$0x3FB2]  }
0x2b: {  	s6 =	sld [smem:$0x3FB3]  }
0x2c: {  	s7 =	sld [smem:$0x3FB4]  }
0x2d: {  	s3 =	simm.s32 $0x108;
	s8 =	sld [smem:$0x3FB5]  }
0x2e: {  	s3 =	simm.s32 @!p0 $0x1082;
	s9 =	sld [smem:$0x3FB6]  }
0x2f: {  	lr =	sadd.s32 s0, s3;
	s0 =	sld [smem:$0x3FAD]  }
0x30: {  	s3 =	sld [smem:$0x3FB0]  }
0x31: {  	[smem:$0x3FB9] =	sst s10  }
0x32: {  	s10 =	sld [smem:$0x3FB7];
	_ =	sdelay $0x3  }
0x33: {  	p0 =	seq.s32 s10, $0x1;
	s10 =	sld [smem:$0x3FB9];
	_ =	sdelay $0x3  }
0x34: {  	[smem:$0x3FB9] =	sst s10  }
0x35: {  	s10 =	sld [smem:$0x3FB8];
	_ =	sdelay $0x3  }
0x36: {  	p1 =	seq.s32 s10, $0x1;
	s10 =	sld [smem:$0x3FB9];
	_ =	sdelay $0x3  }
0x37: {  	[smem:$0x3FB9] =	sst s10  }
0x38: {  	s10 =	sld [smem:$0x3FBA]  }
0x39: {  	_ = 	snop;
	(pc) =	sbr.ind lr, $3  }
0x3a: {  	_ = 	snop  }
0x3b: {  	_ = 	snop  }
0x3c: {  	p2 =	seq.s32 s10, $0x1;
	s10 =	sld [smem:$0x3FB9]  }
0x3d: {  	_ =	shalt  }
0x3e: {  	_ =	shalt  }
0x3f: {  	_ =	shalt  }
0x40: {  	_ =	shalt  }
0x41: {  	_ =	shalt  }
0x42: {  	_ =	shalt  }
0x43: {  	_ =	shalt  }
0x44: {  	_ =	shalt  }
0x45: {  	_ =	shalt  }
0x46: {  	_ =	shalt  }
0x47: {  	_ =	shalt  }
0x48: {  	_ =	shalt  }
0x49: {  	_ =	shalt  }
0x4a: {  	_ =	shalt  }
0x4b: {  	_ =	shalt  }
0x4c: {  	_ =	shalt  }
0x4d: {  	_ =	shalt  }
0x4e: {  	_ =	shalt  }
0x4f: {  	_ =	shalt  }
0x50: {  	_ =	shalt  }
0x51: {  	_ =	shalt  }
0x52: {  	_ =	shalt  }
0x53: {  	_ =	shalt  }
0x54: {  	_ =	shalt  }
0x55: {  	_ =	shalt  }
0x56: {  	_ =	shalt  }
0x57: {  	_ =	shalt  }
0x58: {  	_ =	shalt  }
0x59: {  	_ =	shalt  }
0x5a: {  	_ =	shalt  }
0x5b: {  	_ =	shalt  }
0x5c: {  	_ =	shalt  }
0x5d: {  	_ =	shalt  }
0x5e: {  	_ =	shalt  }
0x5f: {  	_ =	shalt  }
0x60: {  	_ =	shalt  }
0x61: {  	_ =	shalt  }
0x62: {  	_ =	shalt  }
0x63: {  	_ =	shalt  }
0x64: {  	_ =	shalt  }
0x65: {  	_ =	shalt  }
0x66: {  	_ =	shalt  }
0x67: {  	_ =	shalt  }
0x68: {  	_ =	shalt  }
0x69: {  	_ =	shalt  }
0x6a: {  	_ =	shalt  }
0x6b: {  	_ =	shalt  }
0x6c: {  	_ =	shalt  }
0x6d: {  	_ =	shalt  }
0x6e: {  	_ =	shalt  }
0x6f: {  	_ =	shalt  }
0x70: {  	_ =	shalt  }
0x71: {  	_ =	shalt  }
0x72: {  	_ =	shalt  }
0x73: {  	_ =	shalt  }
0x74: {  	_ =	shalt  }
0x75: {  	_ =	shalt  }
0x76: {  	_ =	shalt  }
0x77: {  	_ =	shalt  }
0x78: {  	_ =	shalt  }
0x79: {  	_ =	shalt  }
0x7a: {  	_ =	shalt  }
0x7b: {  	_ =	shalt  }
0x7c: {  	_ =	shalt  }
0x7d: {  	_ =	shalt  }
0x7e: {  	_ =	shalt  }
0x7f: {  	_ =	shalt  }
0x80: {  	_ =	shalt  }
0x81: {  	_ =	shalt  }
0x82: {  	_ =	shalt  }
0x83: {  	_ =	shalt  }
0x84: {  	_ =	shalt  }
0x85: {  	_ =	shalt  }
0x86: {  	_ =	shalt  }
0x87: {  	_ =	shalt  }
.Lfunc_end0:
.L_simem_size_0:
called_computation_lowered:
.L_overlay_start_0:
0x88: {  	s2 =	sld [smem:$0x3FD9]  }
0x89: {  	s3 =	sld [smem:$0x3FFE];
	_ =	sdelay $0x1  }
0x8a: {  	s1 =	srdreg.scid  }
0x8b: {  	s0 =	sand.u32 $0x1, s1  }
0x8c: {  	s16 =	sshll.u32 s0, $0xA;
	s2 =	sadd.s32 s3, s2  }
0x8d: {  	s2 =	sadd.s32 s2, s16  }
0x8e: {  	[smem:$0x3FC5] =	sst s2  }
0x8f: {  	_ = 	snop  }
0x90: {  	(tm) =	ssettm $0x1  }
0x91: {  	s17 =	sld [smem:$0x3FFB];
	_ =	sdelay $0x3  }
0x92: {  	_ =	strace s17  }
0x93: {  	s2 =	sld [smem:$0x3FFC];
	_ =	sdelay $0x3  }
0x94: {  	_ =	strace s2  }
0x95: {  	s2 =	sld [smem:$0x3FFD];
	_ =	sdelay $0x3  }
0x96: {  	_ =	strace s2  }
0x97: {  	_ =	strace $0x8FFFFFFF  }
0x98: {  	s18 =	sld [smem:$0x3FDB];
	_ =	sdelay $0x1  }
0x99: {  	s19 =	simm.s32 $_scs_section_size  }
0x9a: {  	s4 =	simm.s32 $_size__tile_overlayer_lowered;
	s5 =	simm.s32 $_tile_overlayer_lowered  }
0x9b: {  	s22 =	simm.s32 $0x1BFF;
	s21 =	sshll.u32 s5, $0x1;
	s2 =	sadd.s32 s19, s18  }
0x9c: {  	s6 =	simm.s32 $0x0;
	s20 =	sshll.u32 s4, $0x1;
	s4 =	sadd.s32 s21, s2  }
0x9d: {  	[timem:s6], [sflag:s22] =	dma.local [hbm:s4], s20  }
0x9e: {  	_ =	swait.ge [sflag:s22], s20  }
0x9f: {  	s3 =	ssub.s32 $0x0, s20;
	[sflag:s22] =	ssyncset.done $0x0  }
0xa0: {  	[sflag:s22] =	ssyncadd.s32 s3;
	_ =	sdelay $0x1  }
0xa1: {  	s23 =	simm.s32 $0x1B8B  }
0xa2: {  	_ =	swait.ge [sflag:s23], $0x1  }
0xa3: {  	[sflag:s23] =	ssyncset.done $0x0  }
0xa4: {  	s25 =	simm.s32 $0x1B8E;
	s24 =	sld [smem:$0x3FFE];
	[sflag:s23] =	ssyncadd.s32 $0xFFFFFFFF  }
0xa5: {  	s26 =	simm.s32 $execute0_lowered;
	[smem:$0x3FD2] =	sst s25  }
0xa6: {  	s4 =	sshll.u32 s26, $0x1;
	_ =	strace $0x80000046;
	[dreg:$0x1] =	wrdreg $0xFFFFFFFF  }
0xa7: {  	s28 =	simm.s32 $_size_execute0_lowered;
	s2 =	sadd.s32 s2, s4;
	[dreg:$0x0] =	wrdreg $0x0  }
0xa8: {  	s4 =	sshll.u32 s28, $0x1;
	[dreg:$0x2] =	wrdreg s2  }
0xa9: {  	[dreg:$0x3] =	wrdreg s4  }
0xaa: {  	[dreg:$0x4] =	wrdreg $0xC0  }
0xab: {  	_ =	task [dreg:s6], $0x5FFFF  }
0xac: {  	[dreg:$0x1] =	wrdreg $0xFFFFFFFF  }
0xad: {  	[dreg:$0x0] =	wrdreg $0x60  }
0xae: {  	[dreg:$0x2] =	wrdreg s24  }
0xaf: {  	[dreg:$0x3] =	wrdreg $0x9  }
0xb0: {  	_ =	task.clear_ibuf [dreg:s6], $0x4FFFF;
	_ =	strace $0x90000046  }
0xb1: {  	s29 =	simm.s32 $0x9;
	_ =	strace $0x80000048  }
0xb2: {  	_ =	swait.ge [sflag:s29], $0x1  }
0xb3: {  	[sflag:s29] =	ssyncadd.s32 $0xFFFFFFFF  }
0xb4: {  	_ =	strace $0x90000048  }
0xb5: {  	_ =	sfence  }
0xb6: {  	s30 =	sld [smem:$0x0];
	_ =	sdelay $0x2  }
0xb7: {  	s31 =	sshll.u32 s1, $0xD;
	s1 =	sshrl.u32 s1, $0x2  }
0xb8: {  	s3 =	sand.u32 $0x4000, s31;
	s1 =	sadd.s32 s1, s30  }
0xb9: {  	s0 =	sor.u32 s3, s0;
	s1 =	sshll.u32 s1, $0x11  }
0xba: {  	s0 =	sor.u32 s1, s0  }
0xbb: {  	s0 =	sadd.s32 $0x8F2B, s0  }
0xbc: {  	[sflag:s0] =	ssyncadd.remote.s32 $0x1  }
0xbd: {  	_ =	sfence.sel $0xFFFF  }
0xbe: {  	[dreg:$0x0] =	wrdreg $0xFFFFFFFF;
	(pc) =	sbr.abs _section_cstart, $3  }
0xbf: {  	[dreg:$0x1] =	wrdreg $0xFFFFFFFF  }
0xc0: {  	_ =	task.clear_ibuf [dreg:s6], $0x2FFFF;
	_ =	strace $0x9FFFFFFF  }
0xc1: {  	(tm) =	ssettm $0x7FFFFFFF  }
tec
execute0_lowered:
.L_overlay_start_1:
0x0: {  	(tag) =	ssettag $0x1  }
0x1: {  	s3 =	rddreg [dreg:$0x0]  }
0x2: {  	s0 =	rddreg [dreg:$0x1];
	s4 =	srdreg.scid  }
0x3: {  	s2 =	simm.s32 $0x0;
	s1 =	stileid.u32;
	s4 =	sand.u32 $0x1, s4  }
0x4: {  	s7 =	simm.s32 $0x8000;
	s5 =	sshll.u32 s1, $0xD;
	s6 =	sshll.u32 s4, $0xC  }
0x5: {  	s8 =	simm.s32 $0x0;
	s4 =	ssub.s32 $0x2, s4;
	s5 =	sor.u32 s6, s5  }
0x6: {  	[smem:$0x7FF] =	sst s2;
	s31 =	sshrl.u32 s4, $0x1;
	s5 =	sadd.s32 s5, s3  }
0x7: {  	_ =	strace $0x80000047;
	s6 =	ssub.s32 s4, s31;
	s3 =	sadd.s32 $0xC00, s5  }
0x8: {  	v0 =	vlaneseq.u32;
	s4 =	sadd.s32 $0x20C00, s5;
	s5 =	smax.u32 s6, $0x1;
	s6 =	simm.s32 $0x1  }
.LBB2_1:
0x9: {  	[tilespmem:s2], [sflag:$0x1] =	stream.linear.gather [hbm4b:s3+s2], $0x8000, $0x38;
	[tilespmem:$0x10000] =	vst v63  }
0xa: {  	_ =	swait.ge [sflag:s6], $0x8000  }
0xb: {  	[sflag:s6] =	ssyncset.done $0x0  }
0xc: {  	s10 =	simm.s32 $0x0;
	[sflag:s6] =	ssyncadd.s32 $0xFFFF8000  }
0xd: {  	v1 =	vld [tilespmem:s10+$0x0];
	_ =	sdelay $0x4  }
0xe: {  	(xrf0) =	vmax.scan.msk.f32 $0xffff, v1;
	_ =	sdelay $0x3  }
0xf: {  	s9 =	simm.s32 $0x80  }
0x10: {  	v2 =	vld [tilespmem:s9+$0x0]  }
0x11: {  	v3, _, _ =	vpop (xrf0)  }
0x12: {  	v4 =	vbroadcast v3, $0xF;
	_ =	sdelay $0x1  }
0x13: {  	vm0 =	veq.f32 v1, v4  }
0x14: {  	(xrf0) =	vmax.scan.msk.f32 $0xffff, v2;
	v4 =	vmctz.xlane vm0  }
0x15: {  	s11 =	simm.s32 $0x100  }
0x16: {  	vm0 =	veq.s32 v4, v0;
	v4 =	vld [tilespmem:s11+$0x0];
	_ =	sdelay $0x1  }
0x17: {  	v12 =	vsel vm0, $0xFF800000, v1  }
0x18: {  	(xrf0) =	vmax.scan.msk.f32 $0xffff, v12  }
0x19: {  	v1, _, _ =	vpop (xrf0)  }
0x1a: {  	v5 =	vbroadcast v1, $0xF;
	(xrf0) =	vmax.scan.msk.f32 $0xffff, v4;
	_ =	sdelay $0x1  }
0x1b: {  	vm1 =	veq.f32 v2, v5  }
0x1c: {  	v5 =	vmctz.xlane vm1  }
0x1d: {  	(v2sf) =	vpush v3, $0xF;
	v9, _, _ =	vpop (xrf0)  }
0x1e: {  	vm1 =	veq.s32 v5, v0;
	(v2sf) =	vpush v9, $0xF  }
0x1f: {  	v5 =	vsel vm1, $0xFF800000, v2;
	v2, _, _ =	vpop (xrf0)  }
0x20: {  	s12 =	simm.s32 $0x180;
	(xrf0) =	vmax.scan.msk.f32 $0xffff, v5;
	v3 =	vbroadcast v2, $0xF  }
0x21: {  	v7 =	vld [tilespmem:s12+$0x0]  }
0x22: {  	vm2 =	veq.f32 v4, v3  }
0x23: {  	v3 =	vmctz.xlane vm2;
	_ =	sdelay $0x1  }
0x24: {  	vm2 =	veq.s32 v3, v0  }
0x25: {  	(v2sf) =	vpush v1, $0xF;
	v6, _, _ =	vpop (xrf0);
	(xrf0) =	vmax.scan.msk.f32 $0xffff, v7;
	v1 =	vsel vm2, $0xFF800000, v4  }
0x26: {  	(xrf0) =	vmax.scan.msk.f32 $0xffff, v1  }
0x27: {  	s13 =	simm.s32 $0x200;
	(v2sf) =	vpush v6, $0xF  }
0x28: {  	v8 =	vld [tilespmem:s13+$0x0];
	_ =	sdelay $0x2  }
0x29: {  	s14 =	spop (v2sf);
	v11, _, _ =	vpop (xrf0)  }
0x2a: {  	(v2sf) =	vpush v2, $0xF;
	s15 =	spop (v2sf);
	v4, _, _ =	vpop (xrf0)  }
0x2b: {  	(xrf0) =	vmax.scan.msk.f32 $0xffff, v8;
	s14 =	ssub.f32 s15, s14;
	(v2sf) =	vpush v4, $0xF  }
0x2c: {  	v2 =	vbroadcast v11, $0xF  }
0x2d: {  	v3 =	vmov s14  }
0x2e: {  	vm3 =	veq.f32 v7, v2;
	v3 =	vmul.f32 $1.442695020e+00, v3  }
0x2f: {  	v2 =	vmctz.xlane vm3  }
0x30: {  	v3 =	vbroadcast v3, $0x0  }
0x31: {  	vm4 =	veq.s32 v2, v0;
	v14, _, _ =	vpop (xrf0)  }
0x32: {  	s14 =	simm.s32 $0x280;
	v2 =	vbroadcast v14, $0xF;
	(erf) = vpow2.f32 v3;
	v3 =	vsel vm4, $0xFF800000, v7  }
0x33: {  	s30 =	spop (v2sf);
	v13 =	vld [tilespmem:s14+$0x0];
	(xrf0) =	vmax.scan.msk.f32 $0xffff, v3  }
0x34: {  	vm3 =	veq.f32 v8, v2;
	s16 =	spop (v2sf)  }
0x35: {  	s15 =	ssub.f32 s16, s30;
	v7 =	vmctz.xlane vm3;
	_ =	sdelay $0x1  }
0x36: {  	v2 =	vmov s15  }
0x37: {  	(xrf0) =	vmax.scan.msk.f32 $0xffff, v13;
	v2 =	vmul.f32 $1.442695020e+00, v2  }
0x38: {  	vm0 =	vmmov vm0;
	s31 =	spop (v2sf);
	(v2sf) =	vpush v11, $0xF;
	vm3 =	veq.s32 v7, v0;
	v7, _, _ =	vpop (xrf0)  }
0x39: {  	s15 =	simm.s32 $0x300;
	v15 =	vbroadcast v2, $0x0;
	v2 =	vsel vm3, $0xFF800000, v8;
	s17 =	spop (v2sf);
	(v2sf) =	vpush v7, $0xF  }
0x3a: {  	vm0 =	vmmov vm0;
	v10 =	vld [tilespmem:s15+$0x0];
	(xrf0) =	vmax.scan.msk.f32 $0xffff, v2;
	v8 =	vpop (erf)  }
0x3b: {  	vm0 =	vmmov vm0;
	(erf) = vpow2.f32 v15;
	v8 =	vadd.f32 $1.000000000e+00, v8  }
0x3c: {  	vm0 =	vmmov vm0;
	vm1 =	vmmov vm1  }
0x3d: {  	vm5 =	vmmov vm0;
	vm1 =	vmmov vm1;
	v11, _, _ =	vpop (xrf0);
	(erf) = vrcp.f32 v8  }
0x3e: {  	vm1 =	vmmov vm1;
	vm2 =	vmmov vm2;
	v15 =	vbroadcast v11, $0xF;
	s16 =	ssub.f32 s17, s31  }
0x3f: {  	vm6 =	vmmov vm1;
	vm2 =	vmmov vm2;
	vm4 =	vmmov vm4;
	(xrf0) =	vmax.scan.msk.f32 $0xffff, v10  }
0x40: {  	(v2sf) =	vpush v14, $0xF;
	vm1 =	veq.f32 v13, v15;
	v15 =	vmov s16;
	v8, _, _ =	vpop (xrf0)  }
0x41: {  	v16 =	vmctz.xlane vm1;
	v14 =	vmul.f32 $1.442695020e+00, v15;
	(v2sf) =	vpush v8, $0xF  }
0x42: {  	vm5 =	vmmov vm5;
	vm0 =	vmmov vm2;
	vm2 =	vmmov vm4  }
0x43: {  	vm4 =	veq.s32 v16, v0;
	v16 =	vbroadcast v9, $0xF;
	v15 =	vbroadcast v14, $0x0  }
0x44: {  	vm1 =	vmmov vm3;
	vm3 =	vmmov vm6;
	s16 =	simm.s32 $0x380;
	v9 =	vsel vm4, $0xFF800000, v13;
	v17 =	vpop (erf)  }
0x45: {  	s17 =	simm.s32 $0x1000;
	v14 =	vld [tilespmem:s16+$0x0];
	v13, _, _ =	vpop (xrf0);
	(xrf0) =	vmax.scan.msk.f32 $0xffff, v9;
	vm8 =	veq.f32 v12, v16;
	(erf) = vpow2.f32 v15;
	v15 =	vadd.f32 $1.000000000e+00, v17  }
.LBB2_2:
0x46: {  	v12 =	vmctz.xlane vm8;
	v16 =	vpop (erf);
	v17 =	vmov v10  }
0x47: {  	p0 =	sne.s32 s17, $0x1FE00;
	s18 =	spop (v2sf);
	v18 =	vmovc v5;
	v5 =	vmovc v1;
	v1 =	vmov v3;
	v3 =	vmov v2;
	v2 =	vmov v9  }
0x48: {  	vm6 =	vmmov vm0;
	s19 =	spop (v2sf);
	(erf) = vrcp.f32 v15;
	v9 =	vsub.f32 $1.000000000e+00, v16  }
0x49: {  	v19 =	vbroadcast v13, $0xF;
	vm0 =	vmmov vm2;
	s18 =	ssub.f32 s19, s18;
	vm7 =	veq.s32 v12, v0  }
0x4a: {  	vm2 =	vmmov vm1;
	vm1 =	vmmov vm4;
	(xrf0) =	vmax.scan.msk.f32 $0xffff, v14;
	v9 =	vnsel vm7, $0x0, v9;
	v10 =	vmovc v14  }
0x4b: {  	vm4 =	veq.f32 v17, v19;
	v12 =	vmov s18;
	v9 =	vsel vm5, v16, v9  }
.Ltmp0:
0x4c: {  	v14 =	vmctz.xlane vm4;
	(v2sf) =	vpush v11, $0xF;
	v15, _, _ =	vpop (xrf0);
	v12 =	vmul.f32 $1.442695020e+00, v12;
	[tilespmem:s10+$0x8000] =	vst v9;
	s10 =	smov.u32 s9;
	s9 =	smov.u32 s11;
	(pc) =	sbr.rel @p0 .LBB2_2-.Ltmp0, $4  }
0x4d: {  	vm5 =	vmmov vm3;
	vm3 =	vmmov vm6;
	v11 =	vmovc v13;
	s11 =	smov.u32 s12;
	s12 =	smov.u32 s13;
	s13 =	smov.u32 s14;
	(v2sf) =	vpush v15, $0xF  }
0x4e: {  	v16 =	vbroadcast v6, $0xF;
	v6 =	vmovc v4;
	v4 =	vmovc v7;
	vm4 =	veq.s32 v14, v0;
	s14 =	smov.u32 s15;
	s15 =	smov.u32 s16;
	s16 =	sshra.s32 s17, $0x2;
	v12 =	vbroadcast v12, $0x0  }
0x4f: {  	v7 =	vmov v8;
	v9 =	vsel vm4, $0xFF800000, v17;
	v8 =	vmov v15;
	v14 =	vld [tilespmem:s16+$0x0];
	v17 =	vpop (erf)  }
0x50: {  	s17 =	sadd.s32 $0x200, s17;
	vm8 =	veq.f32 v18, v16;
	v13, _, _ =	vpop (xrf0);
	(xrf0) =	vmax.scan.msk.f32 $0xffff, v9;
	(erf) = vpow2.f32 v12;
	v15 =	vadd.f32 $1.000000000e+00, v17  }
0x51: {  	_ =	sdelay $0x2  }
0x52: {  	(xrf0) =	vmax.scan.msk.f32 $0xffff, v14;
	_ =	sdelay $0x4  }
0x53: {  	v16 =	vbroadcast v13, $0xF;
	v12, _, _ =	vpop (xrf0)  }
0x54: {  	v17, _, _ =	vpop (xrf0)  }
0x55: {  	(v2sf) =	vpush v11, $0xF;
	vm6 =	veq.f32 v10, v16;
	v24 =	vbroadcast v17, $0xF  }
0x56: {  	v16 =	vmctz.xlane vm6;
	(v2sf) =	vpush v12, $0xF  }
0x57: {  	s17 =	spop (v2sf);
	vm14 =	veq.f32 v14, v24  }
0x58: {  	s18 =	spop (v2sf);
	vm7 =	veq.s32 v16, v0;
	v25 =	vmctz.xlane vm14  }
0x59: {  	s17 =	ssub.f32 s18, s17;
	v26 =	vsel vm7, $0xFF800000, v10  }
0x5a: {  	(xrf0) =	vmax.scan.msk.f32 $0xffff, v26;
	vm6 =	veq.s32 v25, v0  }
0x5b: {  	v27 =	vmov s17;
	v28 =	vsel vm6, $0xFF800000, v14  }
0x5c: {  	v29 =	vmul.f32 $1.442695020e+00, v27;
	(xrf0) =	vmax.scan.msk.f32 $0xffff, v28;
	_ =	sdelay $0x1  }
0x5d: {  	v14 =	vbroadcast v29, $0x0  }
0x5e: {  	(erf) = vrcp.f32 v15  }
0x5f: {  	(v2sf) =	vpush v13, $0xF;
	v30, _, _ =	vpop (xrf0);
	(erf) = vpow2.f32 v14  }
0x60: {  	(v2sf) =	vpush v30, $0xF  }
0x61: {  	s22 =	spop (v2sf);
	(v2sf) =	vpush v17, $0xF;
	v31, _, _ =	vpop (xrf0)  }
0x62: {  	s23 =	spop (v2sf);
	(v2sf) =	vpush v31, $0xF  }
0x63: {  	s17 =	ssub.f32 s23, s22;
	s19 =	spop (v2sf)  }
0x64: {  	s24 =	spop (v2sf)  }
0x65: {  	v32 =	vpop (erf);
	v33 =	vmov s17;
	s25 =	ssub.f32 s24, s19  }
0x66: {  	v34 =	vpop (erf);
	v16 =	vmul.f32 $1.442695020e+00, v33  }
0x67: {  	v18 =	vpop (erf);
	v17 =	vadd.f32 $1.000000000e+00, v34;
	v19 =	vmov s25  }
0x68: {  	v16 =	vbroadcast v16, $0x0;
	v19 =	vmul.f32 $1.442695020e+00, v19;
	v20 =	vpop (erf)  }
0x69: {  	(erf) = vrcp.f32 v17;
	v35 =	vadd.f32 $1.000000000e+00, v20  }
0x6a: {  	(erf) = vpow2.f32 v16;
	v36 =	vbroadcast v19, $0x0  }
0x6b: {  	(erf) = vrcp.f32 v35  }
0x6c: {  	(erf) = vpow2.f32 v36;
	_ =	sdelay $0x1  }
0x6d: {  	s26 =	spop (v2sf)  }
0x6e: {  	s28 =	spop (v2sf)  }
0x6f: {  	v37 =	vmctz.xlane vm8;
	s17 =	ssub.f32 s28, s26;
	s29 =	spop (v2sf)  }
0x70: {  	v6 =	vbroadcast v6, $0xF;
	vm3 =	vmmov vm3;
	v38 =	vsub.f32 $1.000000000e+00, v32;
	s30 =	spop (v2sf)  }
0x71: {  	vm0 =	vmmov vm0;
	vm8 =	veq.s32 v37, v0;
	v40 =	vpop (erf);
	v39 =	vmov s17;
	s31 =	ssub.f32 s30, s29  }
0x72: {  	v4 =	vbroadcast v4, $0xF;
	v17 =	vnsel vm8, $0x0, v38;
	v43 =	vpop (erf);
	v16 =	vmul.f32 $1.442695020e+00, v39  }
0x73: {  	v41 =	vsel vm5, v32, v17;
	v17 =	vadd.f32 $1.000000000e+00, v43;
	v45 =	vpop (erf);
	v21 =	vmov s31  }
0x74: {  	vm2 =	vmmov vm2;
	v46 =	vbroadcast v16, $0x0;
	v47 =	vpop (erf);
	v21 =	vmul.f32 $1.442695020e+00, v21  }
0x75: {  	v7 =	vbroadcast v7, $0xF;
	(erf) = vrcp.f32 v17;
	v16 =	vadd.f32 $1.000000000e+00, v47  }
0x76: {  	vm1 =	vmmov vm1;
	(erf) = vpow2.f32 v46;
	v48 =	vbroadcast v21, $0x0  }
0x77: {  	vm12 =	vmmov vm4;
	v52 =	vbroadcast v8, $0xF;
	(erf) = vrcp.f32 v16  }
0x78: {  	vm0 =	vmmov vm0;
	vm2 =	vmmov vm2;
	(erf) = vpow2.f32 v48  }
0x79: {  	vm1 =	vmmov vm1;
	vm15 =	veq.f32 v5, v6;
	vm13 =	veq.f32 v1, v4  }
0x7a: {  	vm0 =	vmmov vm0;
	vm2 =	vmmov vm2;
	v1 =	vmctz.xlane vm13  }
0x7b: {  	vm1 =	vmmov vm1;
	v42 =	vmctz.xlane vm15;
	vm15 =	veq.f32 v3, v7  }
0x7c: {  	vm9 =	vmmov vm2;
	vm1 =	vmmov vm1;
	v7 =	vmctz.xlane vm15  }
0x7d: {  	vm11 =	veq.s32 v42, v0;
	vm4 =	veq.s32 v1, v0;
	vm6 =	vmmov vm6  }
0x7e: {  	vm10 =	veq.s32 v7, v0;
	v44 =	vsub.f32 $1.000000000e+00, v18;
	vm13 =	vmmov vm6;
	v1 =	vpop (erf)  }
0x7f: {  	vm14 =	vmmov vm7;
	v56 =	vbroadcast v30, $0xF;
	vm6 =	vmmov vm13;
	v3 =	vpop (erf)  }
0x80: {  	vm5 =	vmmov vm14;
	vm14 =	vmmov vm1;
	vm1 =	vmmov vm6;
	v51 =	vpop (erf)  }
0x81: {  	vm1 =	vmmov vm1;
	v19 =	vnsel vm11, $0x0, v44;
	v3 =	vadd.f32 $1.000000000e+00, v3;
	v53 =	vpop (erf)  }
0x82: {  	v58 =	vbroadcast v31, $0xF;
	v49 =	vsel vm3, v18, v19;
	v8 =	vadd.f32 $1.000000000e+00, v53  }
0x83: {  	vm3 =	vmmov vm12;
	v50 =	vsub.f32 $1.000000000e+00, v40;
	(erf) = vrcp.f32 v3  }
0x84: {  	vm11 =	vmmov vm5;
	vm3 =	vmmov vm3;
	(erf) = vrcp.f32 v8  }
0x85: {  	vm12 =	veq.f32 v2, v52;
	vm3 =	vmmov vm3;
	v4 =	vnsel vm4, $0x0, v50  }
0x86: {  	vm4 =	vmmov vm11;
	vm11 =	veq.f32 v26, v56;
	v3 =	vmctz.xlane vm12  }
0x87: {  	vm3 =	vmmov vm3;
	v59 =	vmctz.xlane vm11;
	v54 =	vsub.f32 $1.000000000e+00, v45  }
0x88: {  	v4 =	vsel vm0, v40, v4;
	vm15 =	veq.s32 v3, v0;
	v3 =	vbroadcast v12, $0xF  }
0x89: {  	vm8 =	vmmov vm3;
	vm13 =	veq.s32 v59, v0;
	v2 =	vnsel vm10, $0x0, v54  }
0x8a: {  	v55 =	vsub.f32 $1.000000000e+00, v1;
	v2 =	vsel vm9, v45, v2;
	vm7 =	veq.f32 v9, v3  }
0x8b: {  	[tilespmem:s10+$0x8000] =	vst v41;
	vm9 =	vmmov vm4;
	vm12 =	veq.f32 v28, v58;
	v3 =	vmctz.xlane vm7  }
0x8c: {  	[tilespmem:s9+$0x8000] =	vst v49;
	vm0 =	vmmov vm9;
	v62 =	vmctz.xlane vm12;
	v57 =	vsub.f32 $1.000000000e+00, v51;
	v60 =	vpop (erf)  }
0x8d: {  	[tilespmem:s11+$0x8000] =	vst v4;
	v7 =	vnsel vm15, $0x0, v55;
	vm10 =	veq.s32 v3, v0;
	v61 =	vsub.f32 $1.000000000e+00, v60;
	v63 =	vpop (erf)  }
0x8e: {  	[tilespmem:s12+$0x8000] =	vst v2;
	v1 =	vsel vm14, v1, v7;
	v3 =	vnsel vm10, $0x0, v57;
	v2 =	vsub.f32 $1.000000000e+00, v63  }
0x8f: {  	vm14 =	veq.s32 v62, v0;
	[tilespmem:s13+$0x8000] =	vst v1;
	v3 =	vsel vm8, v51, v3;
	v1 =	vnsel vm13, $0x0, v61  }
0x90: {  	s8 =	sadd.s32 $0x1, s8;
	vm15 =	vmmov vm1;
	[tilespmem:s14+$0x8000] =	vst v3;
	v1 =	vsel vm0, v60, v1;
	v2 =	vnsel vm14, $0x0, v2  }
0x91: {  	p0 =	sne.s32 s8, s5;
	[tilespmem:s15+$0x8000] =	vst v1;
	v1 =	vsel vm15, v63, v2  }
.Ltmp1:
0x92: {  	[tilespmem:s16+$0x8000] =	vst v1;
	(pc) =	sbr.rel @p0 .LBB2_1-.Ltmp1, $4  }
0x93: {  	[hbm4b:s4+s2] =	stream.linear.scatter [tilespmem:s7], [sflag:$0x1], $0x8000, $0x38;
	[tilespmem:$0x10000] =	vst v63  }
0x94: {  	_ =	swait.ge [sflag:s6], $0x8000  }
0x95: {  	[sflag:s6] =	ssyncset.done $0x0  }
0x96: {  	[sflag:s6] =	ssyncadd.s32 $0xFFFF8000  }
0x97: {  	_ =	sfence.sel $0x180000  }
0x98: {  	[bflag:$0x0] =	sbarrier.arrive $0xFFFF  }
0x99: {  	p0 =	sne.s32 s1, $0x0;
	_ =	strace $0x90000047  }
0x9a: {  	s0 =	sadd.s32 @!p0 $0x100000, s0;
	[bflag:$0x2] =	sbarrier.arrive $0xFFFF  }
0x9b: {  	[sflag:s0] =	ssyncadd.tile.s32 @!p0 $0x1;
	_ =	shalt  }
.Lfunc_end2:
_tile_overlayer_lowered:
.L_overlay_start_2:
0x9c: {  	(tag) =	ssettag $0x2  }
0x9d: {  	s0 =	rddreg [dreg:$0x0];
	s2 =	stileid.u32  }
0x9e: {  	s1 =	rddreg [dreg:$0x1];
	p0 =	sne.s32 s2, $0x0  }
0x9f: {  	s3 =	rddreg [dreg:$0x2];
	[bflag:$0x3] =	sbarrier.arrive $0xFFFF;
	s2 =	simm.s32 @!p0 $0x1C01  }
0xa0: {  	[timem:s3], [sflag:s2] =	dma.local @!p0 [hbm:s0], s1  }
0xa1: {  	s0 =	simm.s32 @!p0 $0x1  }
0xa2: {  	_ =	swait.ge @!p0 [sflag:s0], s1  }
0xa3: {  	s1 =	ssub.s32 @!p0 $0x0, s1;
	[sflag:s0] =	ssyncset.done @!p0 $0x0  }
0xa4: {  	[sflag:s0] =	ssyncadd.s32 @!p0 s1  }
0xa5: {  	[bflag:$0x3] =	sbarrier.arrive $0xFFFF  }
0xa6: {  	_ =	shalt  }

</sc_bundles>
